<compile_context>
chip_gen: v7x
topology: tpu7x:2x2x1
jax: 0.10.2.dev20260603
libtpu: 0.0.44.dev20260713+nightly
codegen_flags: <defaults>
</compile_context>

<pallas_src>
import functools

import jax
import jax.numpy as jnp
from jax import lax
from jax.experimental import pallas as pl
from jax.experimental.pallas import tpu as pltpu
from jax.experimental.pallas import tpu_sc as plsc

N = 8192
ACC = False
NW = 32
CPW = N // NW
FK = 64
NFRAG = N * 64
IDX_LEN = 2 * N + FK


def _bf16_round(v):
    t = plsc.bitcast(v, jnp.int32)
    c = jnp.bitwise_and(lax.shift_right_logical(t, 16), 1)
    r = jnp.bitwise_and(t + c + 0x7FFF, jnp.int32(-65536))
    return plsc.bitcast(r, jnp.float32)


def _gather_sum_body(f_hbm, v_hbm, out_hbm, f_v, idx_v, acc, rowbuf, sem0, sem1):
    nc = 2
    wid = lax.axis_index("s") * nc + lax.axis_index("c")

    pltpu.sync_copy(f_hbm, f_v)

    def _zi(i, _):
        idx_v[pl.ds(pl.multiple_of(i * 16, 16), 16)] = jnp.zeros((16,), jnp.int32)
        return 0
    lax.fori_loop(0, IDX_LEN // 16, _zi, 0)

    for s in range(CPW // 16):
        acc[pl.ds(s * 16, 16)] = jnp.zeros((16,), jnp.float32)

    def _cg(g, cnt):
        v = f_v[pl.ds(pl.multiple_of(g * 16, 16), 16)]
        m = v > 0.5
        inc = m.astype(jnp.int32)
        p = plsc.cumsum(inc) - inc + cnt
        j = lax.iota(jnp.int32, 16) + g * 16
        e0 = (lax.shift_right_logical(j, 3) * 512
              + jnp.bitwise_and(j, 7) + 16 * wid)
        plsc.store_scatter(idx_v, [2 * p], e0, mask=m)
        plsc.store_scatter(idx_v, [2 * p + 1], e0 + 8, mask=m)
        return cnt + jnp.sum(inc)
    cnt = lax.fori_loop(0, N // 16, _cg, jnp.int32(0))

    ne = 2 * cnt
    nfull = ne // FK
    nch = (ne + (FK - 1)) // FK

    def _issue(c, b, sem):
        off = pl.multiple_of(c * FK, FK)
        pltpu.make_async_copy(
            v_hbm.at[idx_v.at[pl.ds(off, FK)]], rowbuf.at[b], sem).start()

    def _wait(b, sem):
        pltpu.make_async_copy(
            v_hbm.at[idx_v.at[pl.ds(0, FK)]], rowbuf.at[b], sem).wait()

    def _accumulate(c, b):
        @pl.when(c < nfull)
        def _():
            def _acc_body(s, _):
                o = pl.multiple_of(s * 32, 32)
                a00 = acc[pl.ds(o, 16)]
                a01 = acc[pl.ds(o + 16, 16)]
                a10 = acc[pl.ds(o + 128, 16)]
                a11 = acc[pl.ds(o + 144, 16)]
                for rp in range(FK // 2):
                    a00 = a00 + _bf16_round(rowbuf[b, 2 * rp, pl.ds(o, 16)])
                    a01 = a01 + _bf16_round(rowbuf[b, 2 * rp, pl.ds(o + 16, 16)])
                    a10 = a10 + _bf16_round(rowbuf[b, 2 * rp + 1, pl.ds(o, 16)])
                    a11 = a11 + _bf16_round(rowbuf[b, 2 * rp + 1, pl.ds(o + 16, 16)])
                acc[pl.ds(o, 16)] = a00
                acc[pl.ds(o + 16, 16)] = a01
                acc[pl.ds(o + 128, 16)] = a10
                acc[pl.ds(o + 144, 16)] = a11
                return 0
            lax.fori_loop(0, 4, _acc_body, 0)

        @pl.when(c >= nfull)
        def _():
            zero = jnp.zeros((16,), jnp.float32)

            def _acc_body(s, _):
                o = pl.multiple_of(s * 32, 32)
                a00 = acc[pl.ds(o, 16)]
                a01 = acc[pl.ds(o + 16, 16)]
                a10 = acc[pl.ds(o + 128, 16)]
                a11 = acc[pl.ds(o + 144, 16)]
                for rp in range(FK // 2):
                    v0 = jnp.full((16,), c * FK + 2 * rp < ne)
                    v1 = jnp.full((16,), c * FK + 2 * rp + 1 < ne)
                    a00 = a00 + jnp.where(
                        v0, _bf16_round(rowbuf[b, 2 * rp, pl.ds(o, 16)]), zero)
                    a01 = a01 + jnp.where(
                        v0, _bf16_round(rowbuf[b, 2 * rp, pl.ds(o + 16, 16)]), zero)
                    a10 = a10 + jnp.where(
                        v1, _bf16_round(rowbuf[b, 2 * rp + 1, pl.ds(o, 16)]), zero)
                    a11 = a11 + jnp.where(
                        v1, _bf16_round(rowbuf[b, 2 * rp + 1, pl.ds(o + 16, 16)]), zero)
                acc[pl.ds(o, 16)] = a00
                acc[pl.ds(o + 16, 16)] = a01
                acc[pl.ds(o + 128, 16)] = a10
                acc[pl.ds(o + 144, 16)] = a11
                return 0
            lax.fori_loop(0, 4, _acc_body, 0)

    @pl.when(nch > 0)
    def _():
        _issue(0, 0, sem0)

    @pl.when(nch > 1)
    def _():
        _issue(1, 1, sem1)

    def _body2(c2, _):
        c0 = 2 * c2
        c1 = c0 + 1

        @pl.when(c0 < nch)
        def _():
            _wait(0, sem0)
            if ACC:
                _accumulate(c0, 0)

        @pl.when(c0 + 2 < nch)
        def _():
            _issue(c0 + 2, 0, sem0)

        @pl.when(c1 < nch)
        def _():
            _wait(1, sem1)
            if ACC:
                _accumulate(c1, 1)

        @pl.when(c1 + 2 < nch)
        def _():
            _issue(c1 + 2, 1, sem1)

        return 0

    lax.fori_loop(0, (nch + 1) // 2, _body2, 0)

    pltpu.sync_copy(acc, out_hbm.at[pl.ds(pl.multiple_of(wid * CPW, CPW), CPW)])


def _sc_node_x(is_firing, V):
    mesh = plsc.VectorSubcoreMesh(core_axis_name="c", subcore_axis_name="s")
    k = functools.partial(
        pl.kernel,
        mesh=mesh,
        out_type=jax.ShapeDtypeStruct((N,), jnp.float32),
        scratch_types=[
            pltpu.VMEM((N,), jnp.float32),
            pltpu.VMEM((IDX_LEN,), jnp.int32),
            pltpu.VMEM((CPW,), jnp.float32),
            pltpu.VMEM((2, FK, 128), jnp.float32),
            pltpu.SemaphoreType.DMA,
            pltpu.SemaphoreType.DMA,
        ],
        compiler_params=pltpu.CompilerParams(needs_layout_passes=False),
    )(_gather_sum_body)
    return k(is_firing, V)


def _threshold_body(x_ref, nx_ref, nf_ref):
    v = x_ref[...]
    theta = jnp.mean(v)
    nx_ref[...] = v
    nf_ref[...] = (v > theta).astype(jnp.float32)


def kernel(x, is_firing, W):
    V = (W.reshape(N // 8, 8, 64, 128)
          .transpose(0, 2, 1, 3)
          .reshape(NFRAG, 128))
    node_x = _sc_node_x(is_firing, V)
    nx, nf = pl.pallas_call(
        _threshold_body,
        out_shape=(
            jax.ShapeDtypeStruct((8, N // 8), jnp.float32),
            jax.ShapeDtypeStruct((8, N // 8), jnp.float32),
        ),
    )(node_x.reshape(8, N // 8))
    return nx.reshape(N), nf.reshape(N)

# --- scband reference (transcript-rebuilt; emitter-appended) ---
"""Pipeline reference for scband-lgnlayer-51007031607532 (READ-ONLY COPY).

The authoritative reference and input builder live on the scoring server;
editing this copy changes nothing except your own understanding.
"""

import jax, jax.numpy as jnp
import numpy as np

N_RETINA = 8192
N_LGN = 4096
SQUARE_SIZE = 10.0
NEIGHBOURHOOD = 2.0
MU_WTS = 2.5


def _pairwise_distance(t):
    # Euclidean pairwise distance, mirrors the torch helper.
    x = t[:, None, :]
    y = t[None, :, :]
    return jnp.sqrt(jnp.sum((x - y) ** 2, axis=2) + 1e-12)


def setup_inputs(seed: int = 0) -> dict:
    key = jax.random.key(seed)
    k1, k2, k3 = jax.random.split(key, 3)
    # Random 2D retinotopic positions in a square, as in __init__.
    topology = jax.random.uniform(k1, (N_RETINA, 2), dtype=jnp.float32) * SQUARE_SIZE
    dist = _pairwise_distance(topology)  # [N, N]
    # Node weights: Gaussian falloff with distance, zeroed outside the
    # neighbourhood (reconstruction of the per-Node distance-based weights),
    # then normalized so the mean weight equals mu_wts as in the original.
    sigma = NEIGHBOURHOOD / 2.0
    W = jnp.exp(-(dist ** 2) / (2.0 * sigma ** 2)) * (dist < NEIGHBOURHOOD).astype(jnp.float32)
    W = W / jnp.mean(W) * MU_WTS
    x = jax.random.normal(k2, (N_RETINA,), dtype=jnp.float32)
    # Binary firing state vector (the layer's recurrent state).
    is_firing = (jax.random.uniform(k3, (N_RETINA,)) > 0.5).astype(jnp.float32)
    return {"x": x, "is_firing": is_firing, "W": W}


def reference(x, is_firing, W):
    # node_x[i] = <weights_i, is_firing> for every node (the matmul loop
    # in the original forward, vectorized to a single dense matvec).
    node_x = W @ is_firing  # [N_RETINA]
    # Each node fires if its integrated input exceeds a threshold
    # (Node.is_node_firing); updated firing vector is the new state / the
    # row appended to firing_matrix.
    theta = jnp.mean(node_x)
    new_firing = (node_x > theta).astype(jnp.float32)
    return node_x, new_firing

if __name__ == "__main__":
    import jax
    _d = setup_inputs()
    print(jax.jit(kernel)(*tuple(_d.values())))

</pallas_src>

<mosaic_0001>
#map = affine_map<(d0, d1) -> (0)>
#map1 = affine_map<(d0, d1) -> (0, 0)>
module attributes {stable_mosaic.version = 14 : i64} {
  func.func @_gather_sum_body(%arg0: i32, %arg1: i32, %arg2: memref<8192xf32, #tpu.memory_space<hbm>>, %arg3: memref<524288x128xf32, #tpu.memory_space<hbm>>, %arg4: memref<8192xf32, #tpu.memory_space<hbm>>, %arg5: memref<8192xf32, #tpu.memory_space<vmem>>, %arg6: memref<16448xi32, #tpu.memory_space<vmem>>, %arg7: memref<256xf32, #tpu.memory_space<vmem>>, %arg8: memref<2x64x128xf32, #tpu.memory_space<vmem>>, %arg9: memref<!tpu.dma_semaphore, #tpu.memory_space<semaphore_mem>>, %arg10: memref<!tpu.dma_semaphore, #tpu.memory_space<semaphore_mem>>) attributes {dimension_semantics = [#tpu.dimension_semantics<core_parallel>, #tpu.dimension_semantics<subcore_parallel>], iteration_bounds = array<i64: 2, 16>, scalar_prefetch = 0 : i64, scratch_operands = 6 : i64, tpu.core_type = #tpu.core_type<sc_vector_subcore>, window_params = [{transform_indices = #map}, {transform_indices = #map1}, {transform_indices = #map}]} {
    %mul3A = arith.constant 2 : i32
    %mul3A_0 = arith.muli %arg1, %mul3A : i32
    %add3A = arith.addi %mul3A_0, %arg0 : i32
    "tpu.region"() ({
      %run_scoped3A = tpu.sem_alloc : memref<!tpu.dma_semaphore, #tpu.memory_space<semaphore_mem>>
      tpu.enqueue_dma source(%arg2 : memref<8192xf32, #tpu.memory_space<hbm>>) target(%arg5 : memref<8192xf32, #tpu.memory_space<vmem>>) target_semaphore(%run_scoped3A : memref<!tpu.dma_semaphore, #tpu.memory_space<semaphore_mem>>)
      tpu.wait_dma2 semaphore(%run_scoped3A : memref<!tpu.dma_semaphore, #tpu.memory_space<semaphore_mem>>) src(%arg2 : memref<8192xf32, #tpu.memory_space<hbm>>) dst(%arg5 : memref<8192xf32, #tpu.memory_space<vmem>>)
      tpu.yield
    }) : () -> ()
    %scan3A = arith.constant 0 : i32
    %scan3A_1 = arith.constant 0 : i32
    %scan3A_2 = arith.constant 1028 : i32
    %scan3A_3 = arith.addi %scan3A_1, %scan3A_2 : i32
    %scan3A_4 = arith.constant 1 : i32
    %scan3A_5 = scf.for %scan3A_166 = %scan3A_1 to %scan3A_3 step %scan3A_4 iter_args(%scan3A_167 = %scan3A) -> (i32)  : i32 {
      %broadcast_in_dim3A_168 = arith.constant 0 : i32
      %broadcast_in_dim3A_169 = vector.broadcast %broadcast_in_dim3A_168 : i32 to vector<16xi32>
      %mul3A_170 = arith.constant 16 : i32
      %mul3A_171 = arith.muli %scan3A_166, %mul3A_170 : i32
      %multiple_of3A_172 = tpu.assume_multiple %mul3A_171, 16 : i32
      %swap3A_173 = arith.index_cast %multiple_of3A_172 : i32 to index
      %swap3A_174 = tpu.vector_load %arg6[%swap3A_173] {strides = array<i32>} : memref<16448xi32, #tpu.memory_space<vmem>>, vector<16xi32>,
      tpu.vector_store %arg6[%swap3A_173], %broadcast_in_dim3A_169 {strides = array<i32>} : memref<16448xi32, #tpu.memory_space<vmem>>, vector<16xi32>,
      %scan3A_175 = arith.constant 0 : i32
      scf.yield %scan3A_175 : i32
    }
    %scan3A_6 = arith.constant 1028 : i32
    %broadcast_in_dim3A = arith.constant 0.000000e+00 : f32
    %broadcast_in_dim3A_7 = vector.broadcast %broadcast_in_dim3A : f32 to vector<16xf32>
    %swap3A = arith.constant 0 : index
    %swap3A_8 = tpu.vector_load %arg7[%swap3A] {strides = array<i32>} : memref<256xf32, #tpu.memory_space<vmem>>, vector<16xf32>,
    tpu.vector_store %arg7[%swap3A], %broadcast_in_dim3A_7 {strides = array<i32>} : memref<256xf32, #tpu.memory_space<vmem>>, vector<16xf32>,
    %broadcast_in_dim3A_9 = arith.constant 0.000000e+00 : f32
    %broadcast_in_dim3A_10 = vector.broadcast %broadcast_in_dim3A_9 : f32 to vector<16xf32>
    %swap3A_11 = arith.constant 16 : index
    %swap3A_12 = tpu.vector_load %arg7[%swap3A_11] {strides = array<i32>} : memref<256xf32, #tpu.memory_space<vmem>>, vector<16xf32>,
    tpu.vector_store %arg7[%swap3A_11], %broadcast_in_dim3A_10 {strides = array<i32>} : memref<256xf32, #tpu.memory_space<vmem>>, vector<16xf32>,
    %broadcast_in_dim3A_13 = arith.constant 0.000000e+00 : f32
    %broadcast_in_dim3A_14 = vector.broadcast %broadcast_in_dim3A_13 : f32 to vector<16xf32>
    %swap3A_15 = arith.constant 32 : index
    %swap3A_16 = tpu.vector_load %arg7[%swap3A_15] {strides = array<i32>} : memref<256xf32, #tpu.memory_space<vmem>>, vector<16xf32>,
    tpu.vector_store %arg7[%swap3A_15], %broadcast_in_dim3A_14 {strides = array<i32>} : memref<256xf32, #tpu.memory_space<vmem>>, vector<16xf32>,
    %broadcast_in_dim3A_17 = arith.constant 0.000000e+00 : f32
    %broadcast_in_dim3A_18 = vector.broadcast %broadcast_in_dim3A_17 : f32 to vector<16xf32>
    %swap3A_19 = arith.constant 48 : index
    %swap3A_20 = tpu.vector_load %arg7[%swap3A_19] {strides = array<i32>} : memref<256xf32, #tpu.memory_space<vmem>>, vector<16xf32>,
    tpu.vector_store %arg7[%swap3A_19], %broadcast_in_dim3A_18 {strides = array<i32>} : memref<256xf32, #tpu.memory_space<vmem>>, vector<16xf32>,
    %broadcast_in_dim3A_21 = arith.constant 0.000000e+00 : f32
    %broadcast_in_dim3A_22 = vector.broadcast %broadcast_in_dim3A_21 : f32 to vector<16xf32>
    %swap3A_23 = arith.constant 64 : index
    %swap3A_24 = tpu.vector_load %arg7[%swap3A_23] {strides = array<i32>} : memref<256xf32, #tpu.memory_space<vmem>>, vector<16xf32>,
    tpu.vector_store %arg7[%swap3A_23], %broadcast_in_dim3A_22 {strides = array<i32>} : memref<256xf32, #tpu.memory_space<vmem>>, vector<16xf32>,
    %broadcast_in_dim3A_25 = arith.constant 0.000000e+00 : f32
    %broadcast_in_dim3A_26 = vector.broadcast %broadcast_in_dim3A_25 : f32 to vector<16xf32>
    %swap3A_27 = arith.constant 80 : index
    %swap3A_28 = tpu.vector_load %arg7[%swap3A_27] {strides = array<i32>} : memref<256xf32, #tpu.memory_space<vmem>>, vector<16xf32>,
    tpu.vector_store %arg7[%swap3A_27], %broadcast_in_dim3A_26 {strides = array<i32>} : memref<256xf32, #tpu.memory_space<vmem>>, vector<16xf32>,
    %broadcast_in_dim3A_29 = arith.constant 0.000000e+00 : f32
    %broadcast_in_dim3A_30 = vector.broadcast %broadcast_in_dim3A_29 : f32 to vector<16xf32>
    %swap3A_31 = arith.constant 96 : index
    %swap3A_32 = tpu.vector_load %arg7[%swap3A_31] {strides = array<i32>} : memref<256xf32, #tpu.memory_space<vmem>>, vector<16xf32>,
    tpu.vector_store %arg7[%swap3A_31], %broadcast_in_dim3A_30 {strides = array<i32>} : memref<256xf32, #tpu.memory_space<vmem>>, vector<16xf32>,
    %broadcast_in_dim3A_33 = arith.constant 0.000000e+00 : f32
    %broadcast_in_dim3A_34 = vector.broadcast %broadcast_in_dim3A_33 : f32 to vector<16xf32>
    %swap3A_35 = arith.constant 112 : index
    %swap3A_36 = tpu.vector_load %arg7[%swap3A_35] {strides = array<i32>} : memref<256xf32, #tpu.memory_space<vmem>>, vector<16xf32>,
    tpu.vector_store %arg7[%swap3A_35], %broadcast_in_dim3A_34 {strides = array<i32>} : memref<256xf32, #tpu.memory_space<vmem>>, vector<16xf32>,
    %broadcast_in_dim3A_37 = arith.constant 0.000000e+00 : f32
    %broadcast_in_dim3A_38 = vector.broadcast %broadcast_in_dim3A_37 : f32 to vector<16xf32>
    %swap3A_39 = arith.constant 128 : index
    %swap3A_40 = tpu.vector_load %arg7[%swap3A_39] {strides = array<i32>} : memref<256xf32, #tpu.memory_space<vmem>>, vector<16xf32>,
    tpu.vector_store %arg7[%swap3A_39], %broadcast_in_dim3A_38 {strides = array<i32>} : memref<256xf32, #tpu.memory_space<vmem>>, vector<16xf32>,
    %broadcast_in_dim3A_41 = arith.constant 0.000000e+00 : f32
    %broadcast_in_dim3A_42 = vector.broadcast %broadcast_in_dim3A_41 : f32 to vector<16xf32>
    %swap3A_43 = arith.constant 144 : index
    %swap3A_44 = tpu.vector_load %arg7[%swap3A_43] {strides = array<i32>} : memref<256xf32, #tpu.memory_space<vmem>>, vector<16xf32>,
    tpu.vector_store %arg7[%swap3A_43], %broadcast_in_dim3A_42 {strides = array<i32>} : memref<256xf32, #tpu.memory_space<vmem>>, vector<16xf32>,
    %broadcast_in_dim3A_45 = arith.constant 0.000000e+00 : f32
    %broadcast_in_dim3A_46 = vector.broadcast %broadcast_in_dim3A_45 : f32 to vector<16xf32>
    %swap3A_47 = arith.constant 160 : index
    %swap3A_48 = tpu.vector_load %arg7[%swap3A_47] {strides = array<i32>} : memref<256xf32, #tpu.memory_space<vmem>>, vector<16xf32>,
    tpu.vector_store %arg7[%swap3A_47], %broadcast_in_dim3A_46 {strides = array<i32>} : memref<256xf32, #tpu.memory_space<vmem>>, vector<16xf32>,
    %broadcast_in_dim3A_49 = arith.constant 0.000000e+00 : f32
    %broadcast_in_dim3A_50 = vector.broadcast %broadcast_in_dim3A_49 : f32 to vector<16xf32>
    %swap3A_51 = arith.constant 176 : index
    %swap3A_52 = tpu.vector_load %arg7[%swap3A_51] {strides = array<i32>} : memref<256xf32, #tpu.memory_space<vmem>>, vector<16xf32>,
    tpu.vector_store %arg7[%swap3A_51], %broadcast_in_dim3A_50 {strides = array<i32>} : memref<256xf32, #tpu.memory_space<vmem>>, vector<16xf32>,
    %broadcast_in_dim3A_53 = arith.constant 0.000000e+00 : f32
    %broadcast_in_dim3A_54 = vector.broadcast %broadcast_in_dim3A_53 : f32 to vector<16xf32>
    %swap3A_55 = arith.constant 192 : index
    %swap3A_56 = tpu.vector_load %arg7[%swap3A_55] {strides = array<i32>} : memref<256xf32, #tpu.memory_space<vmem>>, vector<16xf32>,
    tpu.vector_store %arg7[%swap3A_55], %broadcast_in_dim3A_54 {strides = array<i32>} : memref<256xf32, #tpu.memory_space<vmem>>, vector<16xf32>,
    %broadcast_in_dim3A_57 = arith.constant 0.000000e+00 : f32
    %broadcast_in_dim3A_58 = vector.broadcast %broadcast_in_dim3A_57 : f32 to vector<16xf32>
    %swap3A_59 = arith.constant 208 : index
    %swap3A_60 = tpu.vector_load %arg7[%swap3A_59] {strides = array<i32>} : memref<256xf32, #tpu.memory_space<vmem>>, vector<16xf32>,
    tpu.vector_store %arg7[%swap3A_59], %broadcast_in_dim3A_58 {strides = array<i32>} : memref<256xf32, #tpu.memory_space<vmem>>, vector<16xf32>,
    %broadcast_in_dim3A_61 = arith.constant 0.000000e+00 : f32
    %broadcast_in_dim3A_62 = vector.broadcast %broadcast_in_dim3A_61 : f32 to vector<16xf32>
    %swap3A_63 = arith.constant 224 : index
    %swap3A_64 = tpu.vector_load %arg7[%swap3A_63] {strides = array<i32>} : memref<256xf32, #tpu.memory_space<vmem>>, vector<16xf32>,
    tpu.vector_store %arg7[%swap3A_63], %broadcast_in_dim3A_62 {strides = array<i32>} : memref<256xf32, #tpu.memory_space<vmem>>, vector<16xf32>,
    %broadcast_in_dim3A_65 = arith.constant 0.000000e+00 : f32
    %broadcast_in_dim3A_66 = vector.broadcast %broadcast_in_dim3A_65 : f32 to vector<16xf32>
    %swap3A_67 = arith.constant 240 : index
    %swap3A_68 = tpu.vector_load %arg7[%swap3A_67] {strides = array<i32>} : memref<256xf32, #tpu.memory_space<vmem>>, vector<16xf32>,
    tpu.vector_store %arg7[%swap3A_67], %broadcast_in_dim3A_66 {strides = array<i32>} : memref<256xf32, #tpu.memory_space<vmem>>, vector<16xf32>,
    %scan3A_69 = arith.constant 0 : i32
    %scan3A_70 = arith.constant 0 : i32
    %scan3A_71 = arith.constant 512 : i32
    %scan3A_72 = arith.addi %scan3A_70, %scan3A_71 : i32
    %scan3A_73 = arith.constant 1 : i32
    %scan3A_74 = scf.for %scan3A_166 = %scan3A_70 to %scan3A_72 step %scan3A_73 iter_args(%scan3A_167 = %scan3A_69) -> (i32)  : i32 {
      %mul3A_168 = arith.constant 16 : i32
      %mul3A_169 = arith.muli %scan3A_166, %mul3A_168 : i32
      %multiple_of3A_170 = tpu.assume_multiple %mul3A_169, 16 : i32
      %get3A = arith.index_cast %multiple_of3A_170 : i32 to index
      %get3A_171 = tpu.vector_load %arg5[%get3A] {strides = array<i32>} : memref<8192xf32, #tpu.memory_space<vmem>>, vector<16xf32>,
      %gt3A_172 = arith.constant 5.000000e-01 : f32
      %gt3A_173 = vector.broadcast %gt3A_172 : f32 to vector<16xf32>
      %gt3A_174 = arith.cmpf ogt, %get3A_171, %gt3A_173 : vector<16xf32>
      %convert_element_type3A_175 = arith.extui %gt3A_174 : vector<16xi1> to vector<16xi32>
      %broadcast_in_dim3A_176 = arith.constant true
      %broadcast_in_dim3A_177 = vector.broadcast %broadcast_in_dim3A_176 : i1 to vector<16xi1>
      %masked_cumsum3A = tpu.scan <sum>, %convert_element_type3A_175 masked %broadcast_in_dim3A_177 : vector<16xi32>, vector<16xi1> -> vector<16xi32>
      %sub3A_178 = arith.subi %masked_cumsum3A, %convert_element_type3A_175 : vector<16xi32>
      %add3A_179 = vector.broadcast %scan3A_167 : i32 to vector<16xi32>
      %add3A_180 = arith.addi %sub3A_178, %add3A_179 : vector<16xi32>
      %iota3A = tpu.iota {dimensions = array<i32: 0>} : vector<16xi32>
      %mul3A_181 = arith.constant 16 : i32
      %mul3A_182 = arith.muli %scan3A_166, %mul3A_181 : i32
      %add3A_183 = vector.broadcast %mul3A_182 : i32 to vector<16xi32>
      %add3A_184 = arith.addi %iota3A, %add3A_183 : vector<16xi32>
      %shift_right_logical3A = arith.constant 3 : i32
      %shift_right_logical3A_185 = vector.broadcast %shift_right_logical3A : i32 to vector<16xi32>
      %shift_right_logical3A_186 = arith.shrui %add3A_184, %shift_right_logical3A_185 : vector<16xi32>
      %mul3A_187 = arith.constant 512 : i32
      %mul3A_188 = vector.broadcast %mul3A_187 : i32 to vector<16xi32>
      %mul3A_189 = arith.muli %shift_right_logical3A_186, %mul3A_188 : vector<16xi32>
      %and3A_190 = arith.constant 7 : i32
      %and3A_191 = vector.broadcast %and3A_190 : i32 to vector<16xi32>
      %and3A_192 = arith.andi %add3A_184, %and3A_191 : vector<16xi32>
      %add3A_193 = arith.addi %mul3A_189, %and3A_192 : vector<16xi32>
      %mul3A_194 = arith.constant 16 : i32
      %mul3A_195 = arith.muli %mul3A_194, %add3A : i32
      %add3A_196 = vector.broadcast %mul3A_195 : i32 to vector<16xi32>
      %add3A_197 = arith.addi %add3A_193, %add3A_196 : vector<16xi32>
      %mul3A_198 = arith.constant 2 : i32
      %mul3A_199 = vector.broadcast %mul3A_198 : i32 to vector<16xi32>
      %mul3A_200 = arith.muli %mul3A_199, %add3A_180 : vector<16xi32>
      tpu.vector_store_idx %arg6[%mul3A_200], %add3A_197 masked %gt3A_174 : memref<16448xi32, #tpu.memory_space<vmem>>[vector<16xi32>], vector<16xi32>, vector<16xi1>
      %mul3A_201 = arith.constant 2 : i32
      %mul3A_202 = vector.broadcast %mul3A_201 : i32 to vector<16xi32>
      %mul3A_203 = arith.muli %mul3A_202, %add3A_180 : vector<16xi32>
      %add3A_204 = arith.constant 1 : i32
      %add3A_205 = vector.broadcast %add3A_204 : i32 to vector<16xi32>
      %add3A_206 = arith.addi %mul3A_203, %add3A_205 : vector<16xi32>
      %add3A_207 = arith.constant 8 : i32
      %add3A_208 = vector.broadcast %add3A_207 : i32 to vector<16xi32>
      %add3A_209 = arith.addi %add3A_197, %add3A_208 : vector<16xi32>
      tpu.vector_store_idx %arg6[%add3A_206], %add3A_209 masked %gt3A_174 : memref<16448xi32, #tpu.memory_space<vmem>>[vector<16xi32>], vector<16xi32>, vector<16xi1>
      %reduce_sum3A = arith.constant true
      %reduce_sum3A_210 = vector.broadcast %reduce_sum3A : i1 to vector<16xi1>
      %reduce_sum3A_211 = tpu.scan <sum>, %convert_element_type3A_175 masked %reduce_sum3A_210 : vector<16xi32>, vector<16xi1> -> vector<16xi32>
      %reduce_sum3A_212 = vector.extract %reduce_sum3A_211[15] : i32 from vector<16xi32>
      %add3A_213 = arith.addi %scan3A_167, %reduce_sum3A_212 : i32
      scf.yield %add3A_213 : i32
    }
    %scan3A_75 = arith.constant 512 : i32
    %mul3A_76 = arith.constant 2 : i32
    %mul3A_77 = arith.muli %mul3A_76, %scan3A_74 : i32
    %jit3A = arith.constant 64 : i32
    %div3A = arith.divsi %mul3A_77, %jit3A : i32
    %sign3A = arith.constant 0 : i32
    %sign3A_78 = arith.cmpi sgt, %mul3A_77, %sign3A : i32
    %sign3A_79 = arith.extui %sign3A_78 : i1 to i32
    %sign3A_80 = arith.constant 0 : i32
    %sign3A_81 = arith.cmpi slt, %mul3A_77, %sign3A_80 : i32
    %sign3A_82 = arith.extui %sign3A_81 : i1 to i32
    %sign3A_83 = arith.subi %sign3A_79, %sign3A_82 : i32
    %sign3A_84 = arith.constant 0 : i32
    %sign3A_85 = arith.cmpi sgt, %jit3A, %sign3A_84 : i32
    %sign3A_86 = arith.extui %sign3A_85 : i1 to i32
    %sign3A_87 = arith.constant 0 : i32
    %sign3A_88 = arith.cmpi slt, %jit3A, %sign3A_87 : i32
    %sign3A_89 = arith.extui %sign3A_88 : i1 to i32
    %sign3A_90 = arith.subi %sign3A_86, %sign3A_89 : i32
    %ne3A = arith.cmpi ne, %sign3A_83, %sign3A_90 : i32
    %rem3A = arith.remsi %mul3A_77, %jit3A : i32
    %ne3A_91 = arith.constant 0 : i32
    %ne3A_92 = arith.cmpi ne, %rem3A, %ne3A_91 : i32
    %and3A = arith.andi %ne3A, %ne3A_92 : i1
    %sub3A = arith.constant 1 : i32
    %sub3A_93 = arith.subi %div3A, %sub3A : i32
    %select_n3A = arith.select %and3A, %sub3A_93, %div3A : i32
    %add3A_94 = arith.constant 63 : i32
    %add3A_95 = arith.addi %mul3A_77, %add3A_94 : i32
    %jit3A_96 = arith.constant 64 : i32
    %div3A_97 = arith.divsi %add3A_95, %jit3A_96 : i32
    %sign3A_98 = arith.constant 0 : i32
    %sign3A_99 = arith.cmpi sgt, %add3A_95, %sign3A_98 : i32
    %sign3A_100 = arith.extui %sign3A_99 : i1 to i32
    %sign3A_101 = arith.constant 0 : i32
    %sign3A_102 = arith.cmpi slt, %add3A_95, %sign3A_101 : i32
    %sign3A_103 = arith.extui %sign3A_102 : i1 to i32
    %sign3A_104 = arith.subi %sign3A_100, %sign3A_103 : i32
    %sign3A_105 = arith.constant 0 : i32
    %sign3A_106 = arith.cmpi sgt, %jit3A_96, %sign3A_105 : i32
    %sign3A_107 = arith.extui %sign3A_106 : i1 to i32
    %sign3A_108 = arith.constant 0 : i32
    %sign3A_109 = arith.cmpi slt, %jit3A_96, %sign3A_108 : i32
    %sign3A_110 = arith.extui %sign3A_109 : i1 to i32
    %sign3A_111 = arith.subi %sign3A_107, %sign3A_110 : i32
    %ne3A_112 = arith.cmpi ne, %sign3A_104, %sign3A_111 : i32
    %rem3A_113 = arith.remsi %add3A_95, %jit3A_96 : i32
    %ne3A_114 = arith.constant 0 : i32
    %ne3A_115 = arith.cmpi ne, %rem3A_113, %ne3A_114 : i32
    %and3A_116 = arith.andi %ne3A_112, %ne3A_115 : i1
    %sub3A_117 = arith.constant 1 : i32
    %sub3A_118 = arith.subi %div3A_97, %sub3A_117 : i32
    %select_n3A_119 = arith.select %and3A_116, %sub3A_118, %div3A_97 : i32
    %gt3A = arith.constant 0 : i32
    %gt3A_120 = arith.cmpi sgt, %select_n3A_119, %gt3A : i32
    %convert_element_type3A = arith.extui %gt3A_120 : i1 to i32
    %cond3A = arith.constant 0 : i32
    %cond3A_121 = arith.cmpi ne, %convert_element_type3A, %cond3A : i32
    scf.if %cond3A_121 {
      %multiple_of3A_166 = arith.constant 0 : i32
      %multiple_of3A_167 = tpu.assume_multiple %multiple_of3A_166, 64 : i32
      %dma_start3A = arith.constant 0 : i32
      %dma_start3A_168 = arith.constant 0 : i32
      %dma_start3A_169 = arith.constant 0 : i32
      %dma_start3A_170 = tpu.memref_slice %arg8[%dma_start3A, %dma_start3A_168, %dma_start3A_169] : memref<2x64x128xf32, #tpu.memory_space<vmem>> -> memref<1x64x128xf32, #tpu.memory_space<vmem>>
      %dma_start3A_171 = tpu.memref_squeeze %dma_start3A_170 : memref<1x64x128xf32, #tpu.memory_space<vmem>> -> memref<64x128xf32, #tpu.memory_space<vmem>>
      %dma_start3A_172 = tpu.memref_slice %arg6[%multiple_of3A_167] : memref<16448xi32, #tpu.memory_space<vmem>> -> memref<64xi32, #tpu.memory_space<vmem>>
      %dma_start3A_173 = arith.constant 0 : i32
      %dma_start3A_174 = arith.constant 0 : i32
      %dma_start3A_175 = tpu.memref_slice %arg3[%dma_start3A_173, %dma_start3A_174] : memref<524288x128xf32, #tpu.memory_space<hbm>> -> memref<524288x128xf32, #tpu.memory_space<hbm>>
      tpu.enqueue_indirect_dma source(%dma_start3A_175 : memref<524288x128xf32, #tpu.memory_space<hbm>>) target(%dma_start3A_171 : memref<64x128xf32, #tpu.memory_space<vmem>>) offsets(%dma_start3A_172 : memref<64xi32, #tpu.memory_space<vmem>>) semaphore(%arg9 : memref<!tpu.dma_semaphore, #tpu.memory_space<semaphore_mem>>)
    } else {
    }
    %gt3A_122 = arith.constant 1 : i32
    %gt3A_123 = arith.cmpi sgt, %select_n3A_119, %gt3A_122 : i32
    %convert_element_type3A_124 = arith.extui %gt3A_123 : i1 to i32
    %cond3A_125 = arith.constant 0 : i32
    %cond3A_126 = arith.cmpi ne, %convert_element_type3A_124, %cond3A_125 : i32
    scf.if %cond3A_126 {
      %multiple_of3A_166 = arith.constant 64 : i32
      %multiple_of3A_167 = tpu.assume_multiple %multiple_of3A_166, 64 : i32
      %dma_start3A = arith.constant 1 : i32
      %dma_start3A_168 = arith.constant 0 : i32
      %dma_start3A_169 = arith.constant 0 : i32
      %dma_start3A_170 = tpu.memref_slice %arg8[%dma_start3A, %dma_start3A_168, %dma_start3A_169] : memref<2x64x128xf32, #tpu.memory_space<vmem>> -> memref<1x64x128xf32, #tpu.memory_space<vmem>>
      %dma_start3A_171 = tpu.memref_squeeze %dma_start3A_170 : memref<1x64x128xf32, #tpu.memory_space<vmem>> -> memref<64x128xf32, #tpu.memory_space<vmem>>
      %dma_start3A_172 = tpu.memref_slice %arg6[%multiple_of3A_167] : memref<16448xi32, #tpu.memory_space<vmem>> -> memref<64xi32, #tpu.memory_space<vmem>>
      %dma_start3A_173 = arith.constant 0 : i32
      %dma_start3A_174 = arith.constant 0 : i32
      %dma_start3A_175 = tpu.memref_slice %arg3[%dma_start3A_173, %dma_start3A_174] : memref<524288x128xf32, #tpu.memory_space<hbm>> -> memref<524288x128xf32, #tpu.memory_space<hbm>>
      tpu.enqueue_indirect_dma source(%dma_start3A_175 : memref<524288x128xf32, #tpu.memory_space<hbm>>) target(%dma_start3A_171 : memref<64x128xf32, #tpu.memory_space<vmem>>) offsets(%dma_start3A_172 : memref<64xi32, #tpu.memory_space<vmem>>) semaphore(%arg10 : memref<!tpu.dma_semaphore, #tpu.memory_space<semaphore_mem>>)
    } else {
    }
    %add3A_127 = arith.constant 1 : i32
    %add3A_128 = arith.addi %select_n3A_119, %add3A_127 : i32
    %jit3A_129 = arith.constant 2 : i32
    %div3A_130 = arith.divsi %add3A_128, %jit3A_129 : i32
    %sign3A_131 = arith.constant 0 : i32
    %sign3A_132 = arith.cmpi sgt, %add3A_128, %sign3A_131 : i32
    %sign3A_133 = arith.extui %sign3A_132 : i1 to i32
    %sign3A_134 = arith.constant 0 : i32
    %sign3A_135 = arith.cmpi slt, %add3A_128, %sign3A_134 : i32
    %sign3A_136 = arith.extui %sign3A_135 : i1 to i32
    %sign3A_137 = arith.subi %sign3A_133, %sign3A_136 : i32
    %sign3A_138 = arith.constant 0 : i32
    %sign3A_139 = arith.cmpi sgt, %jit3A_129, %sign3A_138 : i32
    %sign3A_140 = arith.extui %sign3A_139 : i1 to i32
    %sign3A_141 = arith.constant 0 : i32
    %sign3A_142 = arith.cmpi slt, %jit3A_129, %sign3A_141 : i32
    %sign3A_143 = arith.extui %sign3A_142 : i1 to i32
    %sign3A_144 = arith.subi %sign3A_140, %sign3A_143 : i32
    %ne3A_145 = arith.cmpi ne, %sign3A_137, %sign3A_144 : i32
    %rem3A_146 = arith.remsi %add3A_128, %jit3A_129 : i32
    %ne3A_147 = arith.constant 0 : i32
    %ne3A_148 = arith.cmpi ne, %rem3A_146, %ne3A_147 : i32
    %and3A_149 = arith.andi %ne3A_145, %ne3A_148 : i1
    %sub3A_150 = arith.constant 1 : i32
    %sub3A_151 = arith.subi %div3A_130, %sub3A_150 : i32
    %select_n3A_152 = arith.select %and3A_149, %sub3A_151, %div3A_130 : i32
    %while3A = arith.constant 0 : i32
    %while3A_153 = arith.constant 0 : i32
    %while3A_154 = arith.subi %select_n3A_152, %while3A : i32
    %while3A_155 = arith.addi %while3A, %while3A_154 : i32
    %while3A_156 = arith.constant 1 : i32
    %while3A_157 = arith.divsi %while3A_154, %while3A_156 : i32
    %while3A_158 = arith.muli %while3A_157, %while3A_156 : i32
    %while3A_159 = arith.addi %while3A, %while3A_158 : i32
    %while3A_160 = arith.constant 1 : i32
    %while3A_161 = scf.for %while3A_166 = %while3A to %while3A_159 step %while3A_160 iter_args(%while3A_167 = %while3A_153) -> (i32)  : i32 {
      %mul3A_168 = arith.constant 2 : i32
      %mul3A_169 = arith.muli %mul3A_168, %while3A_166 : i32
      %add3A_170 = arith.constant 1 : i32
      %add3A_171 = arith.addi %mul3A_169, %add3A_170 : i32
      %lt3A = arith.cmpi slt, %mul3A_169, %select_n3A_119 : i32
      %convert_element_type3A_172 = arith.extui %lt3A : i1 to i32
      %cond3A_173 = arith.constant 0 : i32
      %cond3A_174 = arith.cmpi ne, %convert_element_type3A_172, %cond3A_173 : i32
      scf.if %cond3A_174 {
        %dma_wait3A = arith.constant 0 : i32
        %dma_wait3A_192 = arith.constant 0 : i32
        %dma_wait3A_193 = arith.constant 0 : i32
        %dma_wait3A_194 = tpu.memref_slice %arg8[%dma_wait3A, %dma_wait3A_192, %dma_wait3A_193] : memref<2x64x128xf32, #tpu.memory_space<vmem>> -> memref<1x64x128xf32, #tpu.memory_space<vmem>>
        %dma_wait3A_195 = tpu.memref_squeeze %dma_wait3A_194 : memref<1x64x128xf32, #tpu.memory_space<vmem>> -> memref<64x128xf32, #tpu.memory_space<vmem>>
        %dma_wait3A_196 = arith.constant 0 : i32
        %dma_wait3A_197 = tpu.memref_slice %arg6[%dma_wait3A_196] : memref<16448xi32, #tpu.memory_space<vmem>> -> memref<64xi32, #tpu.memory_space<vmem>>
        %dma_wait3A_198 = arith.constant 0 : i32
        %dma_wait3A_199 = arith.constant 0 : i32
        %dma_wait3A_200 = tpu.memref_slice %arg3[%dma_wait3A_198, %dma_wait3A_199] : memref<524288x128xf32, #tpu.memory_space<hbm>> -> memref<524288x128xf32, #tpu.memory_space<hbm>>
        tpu.wait_indirect_dma semaphore(%arg9 : memref<!tpu.dma_semaphore, #tpu.memory_space<semaphore_mem>>) src(%dma_wait3A_200 : memref<524288x128xf32, #tpu.memory_space<hbm>>) dst(%dma_wait3A_195 : memref<64x128xf32, #tpu.memory_space<vmem>>)
      } else {
      }
      %add3A_175 = arith.constant 2 : i32
      %add3A_176 = arith.addi %mul3A_169, %add3A_175 : i32
      %lt3A_177 = arith.cmpi slt, %add3A_176, %select_n3A_119 : i32
      %convert_element_type3A_178 = arith.extui %lt3A_177 : i1 to i32
      %cond3A_179 = arith.constant 0 : i32
      %cond3A_180 = arith.cmpi ne, %convert_element_type3A_178, %cond3A_179 : i32
      scf.if %cond3A_180 {
        %add3A_192 = arith.constant 2 : i32
        %add3A_193 = arith.addi %mul3A_169, %add3A_192 : i32
        %mul3A_194 = arith.constant 64 : i32
        %mul3A_195 = arith.muli %add3A_193, %mul3A_194 : i32
        %multiple_of3A_196 = tpu.assume_multiple %mul3A_195, 64 : i32
        %dma_start3A = arith.constant 0 : i32
        %dma_start3A_197 = arith.constant 0 : i32
        %dma_start3A_198 = arith.constant 0 : i32
        %dma_start3A_199 = tpu.memref_slice %arg8[%dma_start3A, %dma_start3A_197, %dma_start3A_198] : memref<2x64x128xf32, #tpu.memory_space<vmem>> -> memref<1x64x128xf32, #tpu.memory_space<vmem>>
        %dma_start3A_200 = tpu.memref_squeeze %dma_start3A_199 : memref<1x64x128xf32, #tpu.memory_space<vmem>> -> memref<64x128xf32, #tpu.memory_space<vmem>>
        %dma_start3A_201 = tpu.memref_slice %arg6[%multiple_of3A_196] : memref<16448xi32, #tpu.memory_space<vmem>> -> memref<64xi32, #tpu.memory_space<vmem>>
        %dma_start3A_202 = arith.constant 0 : i32
        %dma_start3A_203 = arith.constant 0 : i32
        %dma_start3A_204 = tpu.memref_slice %arg3[%dma_start3A_202, %dma_start3A_203] : memref<524288x128xf32, #tpu.memory_space<hbm>> -> memref<524288x128xf32, #tpu.memory_space<hbm>>
        tpu.enqueue_indirect_dma source(%dma_start3A_204 : memref<524288x128xf32, #tpu.memory_space<hbm>>) target(%dma_start3A_200 : memref<64x128xf32, #tpu.memory_space<vmem>>) offsets(%dma_start3A_201 : memref<64xi32, #tpu.memory_space<vmem>>) semaphore(%arg9 : memref<!tpu.dma_semaphore, #tpu.memory_space<semaphore_mem>>)
      } else {
      }
      %lt3A_181 = arith.cmpi slt, %add3A_171, %select_n3A_119 : i32
      %convert_element_type3A_182 = arith.extui %lt3A_181 : i1 to i32
      %cond3A_183 = arith.constant 0 : i32
      %cond3A_184 = arith.cmpi ne, %convert_element_type3A_182, %cond3A_183 : i32
      scf.if %cond3A_184 {
        %dma_wait3A = arith.constant 1 : i32
        %dma_wait3A_192 = arith.constant 0 : i32
        %dma_wait3A_193 = arith.constant 0 : i32
        %dma_wait3A_194 = tpu.memref_slice %arg8[%dma_wait3A, %dma_wait3A_192, %dma_wait3A_193] : memref<2x64x128xf32, #tpu.memory_space<vmem>> -> memref<1x64x128xf32, #tpu.memory_space<vmem>>
        %dma_wait3A_195 = tpu.memref_squeeze %dma_wait3A_194 : memref<1x64x128xf32, #tpu.memory_space<vmem>> -> memref<64x128xf32, #tpu.memory_space<vmem>>
        %dma_wait3A_196 = arith.constant 0 : i32
        %dma_wait3A_197 = tpu.memref_slice %arg6[%dma_wait3A_196] : memref<16448xi32, #tpu.memory_space<vmem>> -> memref<64xi32, #tpu.memory_space<vmem>>
        %dma_wait3A_198 = arith.constant 0 : i32
        %dma_wait3A_199 = arith.constant 0 : i32
        %dma_wait3A_200 = tpu.memref_slice %arg3[%dma_wait3A_198, %dma_wait3A_199] : memref<524288x128xf32, #tpu.memory_space<hbm>> -> memref<524288x128xf32, #tpu.memory_space<hbm>>
        tpu.wait_indirect_dma semaphore(%arg10 : memref<!tpu.dma_semaphore, #tpu.memory_space<semaphore_mem>>) src(%dma_wait3A_200 : memref<524288x128xf32, #tpu.memory_space<hbm>>) dst(%dma_wait3A_195 : memref<64x128xf32, #tpu.memory_space<vmem>>)
      } else {
      }
      %add3A_185 = arith.constant 2 : i32
      %add3A_186 = arith.addi %add3A_171, %add3A_185 : i32
      %lt3A_187 = arith.cmpi slt, %add3A_186, %select_n3A_119 : i32
      %convert_element_type3A_188 = arith.extui %lt3A_187 : i1 to i32
      %cond3A_189 = arith.constant 0 : i32
      %cond3A_190 = arith.cmpi ne, %convert_element_type3A_188, %cond3A_189 : i32
      scf.if %cond3A_190 {
        %add3A_192 = arith.constant 2 : i32
        %add3A_193 = arith.addi %add3A_171, %add3A_192 : i32
        %mul3A_194 = arith.constant 64 : i32
        %mul3A_195 = arith.muli %add3A_193, %mul3A_194 : i32
        %multiple_of3A_196 = tpu.assume_multiple %mul3A_195, 64 : i32
        %dma_start3A = arith.constant 1 : i32
        %dma_start3A_197 = arith.constant 0 : i32
        %dma_start3A_198 = arith.constant 0 : i32
        %dma_start3A_199 = tpu.memref_slice %arg8[%dma_start3A, %dma_start3A_197, %dma_start3A_198] : memref<2x64x128xf32, #tpu.memory_space<vmem>> -> memref<1x64x128xf32, #tpu.memory_space<vmem>>
        %dma_start3A_200 = tpu.memref_squeeze %dma_start3A_199 : memref<1x64x128xf32, #tpu.memory_space<vmem>> -> memref<64x128xf32, #tpu.memory_space<vmem>>
        %dma_start3A_201 = tpu.memref_slice %arg6[%multiple_of3A_196] : memref<16448xi32, #tpu.memory_space<vmem>> -> memref<64xi32, #tpu.memory_space<vmem>>
        %dma_start3A_202 = arith.constant 0 : i32
        %dma_start3A_203 = arith.constant 0 : i32
        %dma_start3A_204 = tpu.memref_slice %arg3[%dma_start3A_202, %dma_start3A_203] : memref<524288x128xf32, #tpu.memory_space<hbm>> -> memref<524288x128xf32, #tpu.memory_space<hbm>>
        tpu.enqueue_indirect_dma source(%dma_start3A_204 : memref<524288x128xf32, #tpu.memory_space<hbm>>) target(%dma_start3A_200 : memref<64x128xf32, #tpu.memory_space<vmem>>) offsets(%dma_start3A_201 : memref<64xi32, #tpu.memory_space<vmem>>) semaphore(%arg10 : memref<!tpu.dma_semaphore, #tpu.memory_space<semaphore_mem>>)
      } else {
      }
      %while3A_191 = arith.constant 0 : i32
      scf.yield %while3A_191 : i32
    }
    %while3A_162 = arith.constant 1 : i32
    %while3A_163 = scf.for %while3A_166 = %while3A_159 to %while3A_155 step %while3A_162 iter_args(%while3A_167 = %while3A_161) -> (i32)  : i32 {
      %mul3A_168 = arith.constant 2 : i32
      %mul3A_169 = arith.muli %mul3A_168, %while3A_166 : i32
      %add3A_170 = arith.constant 1 : i32
      %add3A_171 = arith.addi %mul3A_169, %add3A_170 : i32
      %lt3A = arith.cmpi slt, %mul3A_169, %select_n3A_119 : i32
      %convert_element_type3A_172 = arith.extui %lt3A : i1 to i32
      %cond3A_173 = arith.constant 0 : i32
      %cond3A_174 = arith.cmpi ne, %convert_element_type3A_172, %cond3A_173 : i32
      scf.if %cond3A_174 {
        %dma_wait3A = arith.constant 0 : i32
        %dma_wait3A_192 = arith.constant 0 : i32
        %dma_wait3A_193 = arith.constant 0 : i32
        %dma_wait3A_194 = tpu.memref_slice %arg8[%dma_wait3A, %dma_wait3A_192, %dma_wait3A_193] : memref<2x64x128xf32, #tpu.memory_space<vmem>> -> memref<1x64x128xf32, #tpu.memory_space<vmem>>
        %dma_wait3A_195 = tpu.memref_squeeze %dma_wait3A_194 : memref<1x64x128xf32, #tpu.memory_space<vmem>> -> memref<64x128xf32, #tpu.memory_space<vmem>>
        %dma_wait3A_196 = arith.constant 0 : i32
        %dma_wait3A_197 = tpu.memref_slice %arg6[%dma_wait3A_196] : memref<16448xi32, #tpu.memory_space<vmem>> -> memref<64xi32, #tpu.memory_space<vmem>>
        %dma_wait3A_198 = arith.constant 0 : i32
        %dma_wait3A_199 = arith.constant 0 : i32
        %dma_wait3A_200 = tpu.memref_slice %arg3[%dma_wait3A_198, %dma_wait3A_199] : memref<524288x128xf32, #tpu.memory_space<hbm>> -> memref<524288x128xf32, #tpu.memory_space<hbm>>
        tpu.wait_indirect_dma semaphore(%arg9 : memref<!tpu.dma_semaphore, #tpu.memory_space<semaphore_mem>>) src(%dma_wait3A_200 : memref<524288x128xf32, #tpu.memory_space<hbm>>) dst(%dma_wait3A_195 : memref<64x128xf32, #tpu.memory_space<vmem>>)
      } else {
      }
      %add3A_175 = arith.constant 2 : i32
      %add3A_176 = arith.addi %mul3A_169, %add3A_175 : i32
      %lt3A_177 = arith.cmpi slt, %add3A_176, %select_n3A_119 : i32
      %convert_element_type3A_178 = arith.extui %lt3A_177 : i1 to i32
      %cond3A_179 = arith.constant 0 : i32
      %cond3A_180 = arith.cmpi ne, %convert_element_type3A_178, %cond3A_179 : i32
      scf.if %cond3A_180 {
        %add3A_192 = arith.constant 2 : i32
        %add3A_193 = arith.addi %mul3A_169, %add3A_192 : i32
        %mul3A_194 = arith.constant 64 : i32
        %mul3A_195 = arith.muli %add3A_193, %mul3A_194 : i32
        %multiple_of3A_196 = tpu.assume_multiple %mul3A_195, 64 : i32
        %dma_start3A = arith.constant 0 : i32
        %dma_start3A_197 = arith.constant 0 : i32
        %dma_start3A_198 = arith.constant 0 : i32
        %dma_start3A_199 = tpu.memref_slice %arg8[%dma_start3A, %dma_start3A_197, %dma_start3A_198] : memref<2x64x128xf32, #tpu.memory_space<vmem>> -> memref<1x64x128xf32, #tpu.memory_space<vmem>>
        %dma_start3A_200 = tpu.memref_squeeze %dma_start3A_199 : memref<1x64x128xf32, #tpu.memory_space<vmem>> -> memref<64x128xf32, #tpu.memory_space<vmem>>
        %dma_start3A_201 = tpu.memref_slice %arg6[%multiple_of3A_196] : memref<16448xi32, #tpu.memory_space<vmem>> -> memref<64xi32, #tpu.memory_space<vmem>>
        %dma_start3A_202 = arith.constant 0 : i32
        %dma_start3A_203 = arith.constant 0 : i32
        %dma_start3A_204 = tpu.memref_slice %arg3[%dma_start3A_202, %dma_start3A_203] : memref<524288x128xf32, #tpu.memory_space<hbm>> -> memref<524288x128xf32, #tpu.memory_space<hbm>>
        tpu.enqueue_indirect_dma source(%dma_start3A_204 : memref<524288x128xf32, #tpu.memory_space<hbm>>) target(%dma_start3A_200 : memref<64x128xf32, #tpu.memory_space<vmem>>) offsets(%dma_start3A_201 : memref<64xi32, #tpu.memory_space<vmem>>) semaphore(%arg9 : memref<!tpu.dma_semaphore, #tpu.memory_space<semaphore_mem>>)
      } else {
      }
      %lt3A_181 = arith.cmpi slt, %add3A_171, %select_n3A_119 : i32
      %convert_element_type3A_182 = arith.extui %lt3A_181 : i1 to i32
      %cond3A_183 = arith.constant 0 : i32
      %cond3A_184 = arith.cmpi ne, %convert_element_type3A_182, %cond3A_183 : i32
      scf.if %cond3A_184 {
        %dma_wait3A = arith.constant 1 : i32
        %dma_wait3A_192 = arith.constant 0 : i32
        %dma_wait3A_193 = arith.constant 0 : i32
        %dma_wait3A_194 = tpu.memref_slice %arg8[%dma_wait3A, %dma_wait3A_192, %dma_wait3A_193] : memref<2x64x128xf32, #tpu.memory_space<vmem>> -> memref<1x64x128xf32, #tpu.memory_space<vmem>>
        %dma_wait3A_195 = tpu.memref_squeeze %dma_wait3A_194 : memref<1x64x128xf32, #tpu.memory_space<vmem>> -> memref<64x128xf32, #tpu.memory_space<vmem>>
        %dma_wait3A_196 = arith.constant 0 : i32
        %dma_wait3A_197 = tpu.memref_slice %arg6[%dma_wait3A_196] : memref<16448xi32, #tpu.memory_space<vmem>> -> memref<64xi32, #tpu.memory_space<vmem>>
        %dma_wait3A_198 = arith.constant 0 : i32
        %dma_wait3A_199 = arith.constant 0 : i32
        %dma_wait3A_200 = tpu.memref_slice %arg3[%dma_wait3A_198, %dma_wait3A_199] : memref<524288x128xf32, #tpu.memory_space<hbm>> -> memref<524288x128xf32, #tpu.memory_space<hbm>>
        tpu.wait_indirect_dma semaphore(%arg10 : memref<!tpu.dma_semaphore, #tpu.memory_space<semaphore_mem>>) src(%dma_wait3A_200 : memref<524288x128xf32, #tpu.memory_space<hbm>>) dst(%dma_wait3A_195 : memref<64x128xf32, #tpu.memory_space<vmem>>)
      } else {
      }
      %add3A_185 = arith.constant 2 : i32
      %add3A_186 = arith.addi %add3A_171, %add3A_185 : i32
      %lt3A_187 = arith.cmpi slt, %add3A_186, %select_n3A_119 : i32
      %convert_element_type3A_188 = arith.extui %lt3A_187 : i1 to i32
      %cond3A_189 = arith.constant 0 : i32
      %cond3A_190 = arith.cmpi ne, %convert_element_type3A_188, %cond3A_189 : i32
      scf.if %cond3A_190 {
        %add3A_192 = arith.constant 2 : i32
        %add3A_193 = arith.addi %add3A_171, %add3A_192 : i32
        %mul3A_194 = arith.constant 64 : i32
        %mul3A_195 = arith.muli %add3A_193, %mul3A_194 : i32
        %multiple_of3A_196 = tpu.assume_multiple %mul3A_195, 64 : i32
        %dma_start3A = arith.constant 1 : i32
        %dma_start3A_197 = arith.constant 0 : i32
        %dma_start3A_198 = arith.constant 0 : i32
        %dma_start3A_199 = tpu.memref_slice %arg8[%dma_start3A, %dma_start3A_197, %dma_start3A_198] : memref<2x64x128xf32, #tpu.memory_space<vmem>> -> memref<1x64x128xf32, #tpu.memory_space<vmem>>
        %dma_start3A_200 = tpu.memref_squeeze %dma_start3A_199 : memref<1x64x128xf32, #tpu.memory_space<vmem>> -> memref<64x128xf32, #tpu.memory_space<vmem>>
        %dma_start3A_201 = tpu.memref_slice %arg6[%multiple_of3A_196] : memref<16448xi32, #tpu.memory_space<vmem>> -> memref<64xi32, #tpu.memory_space<vmem>>
        %dma_start3A_202 = arith.constant 0 : i32
        %dma_start3A_203 = arith.constant 0 : i32
        %dma_start3A_204 = tpu.memref_slice %arg3[%dma_start3A_202, %dma_start3A_203] : memref<524288x128xf32, #tpu.memory_space<hbm>> -> memref<524288x128xf32, #tpu.memory_space<hbm>>
        tpu.enqueue_indirect_dma source(%dma_start3A_204 : memref<524288x128xf32, #tpu.memory_space<hbm>>) target(%dma_start3A_200 : memref<64x128xf32, #tpu.memory_space<vmem>>) offsets(%dma_start3A_201 : memref<64xi32, #tpu.memory_space<vmem>>) semaphore(%arg10 : memref<!tpu.dma_semaphore, #tpu.memory_space<semaphore_mem>>)
      } else {
      }
      %while3A_191 = arith.constant 0 : i32
      scf.yield %while3A_191 : i32
    }
    %mul3A_164 = arith.constant 256 : i32
    %mul3A_165 = arith.muli %add3A, %mul3A_164 : i32
    %multiple_of3A = tpu.assume_multiple %mul3A_165, 256 : i32
    "tpu.region"() ({
      %run_scoped3A = tpu.sem_alloc : memref<!tpu.dma_semaphore, #tpu.memory_space<semaphore_mem>>
      %dma_start3A = tpu.memref_slice %arg4[%multiple_of3A] : memref<8192xf32, #tpu.memory_space<hbm>> -> memref<256xf32, #tpu.memory_space<hbm>>
      %dma_start3A_166 = tpu.memref_slice %arg4[%multiple_of3A] : memref<8192xf32, #tpu.memory_space<hbm>> -> memref<256xf32, #tpu.memory_space<hbm>>
      tpu.enqueue_dma source(%arg7 : memref<256xf32, #tpu.memory_space<vmem>>) target(%dma_start3A_166 : memref<256xf32, #tpu.memory_space<hbm>>) target_semaphore(%run_scoped3A : memref<!tpu.dma_semaphore, #tpu.memory_space<semaphore_mem>>)
      %dma_wait3A = tpu.memref_slice %arg4[%multiple_of3A] : memref<8192xf32, #tpu.memory_space<hbm>> -> memref<256xf32, #tpu.memory_space<hbm>>
      %dma_wait3A_167 = tpu.memref_slice %arg4[%multiple_of3A] : memref<8192xf32, #tpu.memory_space<hbm>> -> memref<256xf32, #tpu.memory_space<hbm>>
      tpu.wait_dma2 semaphore(%run_scoped3A : memref<!tpu.dma_semaphore, #tpu.memory_space<semaphore_mem>>) src(%arg7 : memref<256xf32, #tpu.memory_space<vmem>>) dst(%dma_wait3A_167 : memref<256xf32, #tpu.memory_space<hbm>>)
      tpu.yield
    }) : () -> ()
    return
  }
}

module attributes {stable_mosaic.version = 14 : i64} {
  func.func @_threshold_body(%arg0: memref<8x1024xf32, #tpu.memory_space<vmem>>, %arg1: memref<8x1024xf32, #tpu.memory_space<vmem>>, %arg2: memref<8x1024xf32, #tpu.memory_space<vmem>>) attributes {dimension_semantics = [], scalar_prefetch = 0 : i64, scratch_operands = 0 : i64, tpu.core_type = #tpu.core_type<tc>} {
    %get3A = arith.constant 0 : index
    %get3A_0 = arith.constant 0 : index
    %get3A_1 = vector.load %arg0[%get3A, %get3A_0] : memref<8x1024xf32, #tpu.memory_space<vmem>>, vector<8x1024xf32>
    %reduce_sum3A = vector.shape_cast %get3A_1 : vector<8x1024xf32> to vector<1x8x1024xf32>
    %reduce_sum3A_2 = arith.constant dense<0.000000e+00> : vector<1xf32>
    %reduce_sum3A_3 = vector.multi_reduction <add>, %reduce_sum3A, %reduce_sum3A_2 [1, 2] : vector<1x8x1024xf32> to vector<1xf32>
    %reduce_sum3A_4 = vector.shape_cast %reduce_sum3A_3 : vector<1xf32> to vector<1x1x1xf32>
    %reduce_sum3A_5 = vector.extract %reduce_sum3A_4[0, 0, 0] : f32 from vector<1x1x1xf32>
    %div3A = arith.constant 8.192000e+03 : f32
    %div3A_6 = arith.divf %reduce_sum3A_5, %div3A : f32
    %swap3A = arith.constant 0 : index
    %swap3A_7 = arith.constant 0 : index
    %swap3A_8 = vector.load %arg1[%swap3A, %swap3A_7] : memref<8x1024xf32, #tpu.memory_space<vmem>>, vector<8x1024xf32>
    tpu.vector_store %arg1[%swap3A, %swap3A_7], %get3A_1 {strides = array<i32>} : memref<8x1024xf32, #tpu.memory_space<vmem>>, vector<8x1024xf32>,
    %gt3A = vector.broadcast %div3A_6 : f32 to vector<8x1024xf32>
    %gt3A_9 = arith.cmpf ogt, %get3A_1, %gt3A : vector<8x1024xf32>
    %convert_element_type3A = arith.extui %gt3A_9 : vector<8x1024xi1> to vector<8x1024xi32>
    %convert_element_type3A_10 = arith.sitofp %convert_element_type3A : vector<8x1024xi32> to vector<8x1024xf32>
    %swap3A_11 = arith.constant 0 : index
    %swap3A_12 = arith.constant 0 : index
    %swap3A_13 = vector.load %arg2[%swap3A_11, %swap3A_12] : memref<8x1024xf32, #tpu.memory_space<vmem>>, vector<8x1024xf32>
    tpu.vector_store %arg2[%swap3A_11, %swap3A_12], %convert_element_type3A_10 {strides = array<i32>} : memref<8x1024xf32, #tpu.memory_space<vmem>>, vector<8x1024xf32>,
    return
  }
}

</mosaic_0001>

<sc_bundles>
// kernel: kernel.4.cloned.1.call-start
scs
__scs_entry_jumppad:
0x0: {  	(pc) =	sbr.rel $0x88, $3  }
0x1: {  	(tag) =	ssettag $0x0;
	lr =	simm.s32 $0x1  }
0x2: {  	[smem:$0x3F9F] =	sst lr;
	_ =	strace $0xD0000000  }
0x3: {  	_ = 	snop  }
0x4: {  	_ = 	snop  }
0x5: {  	_ = 	snop  }
0x6: {  	_ = 	snop  }
0x7: {  	_ = 	snop  }
__scs_overlays_trampoline_lowered:
0x8: {  	[smem:$0x3FAE] =	sst s0  }
0x9: {  	[smem:$0x3FAF] =	sst s1  }
0xa: {  	[smem:$0x3FB0] =	sst s2  }
0xb: {  	[smem:$0x3FB1] =	sst s3  }
0xc: {  	[smem:$0x3FB2] =	sst s4  }
0xd: {  	[smem:$0x3FB3] =	sst s5  }
0xe: {  	[smem:$0x3FB4] =	sst s6  }
0xf: {  	[smem:$0x3FB5] =	sst s7  }
0x10: {  	[smem:$0x3FB6] =	sst s8  }
0x11: {  	[smem:$0x3FB7] =	sst s9;
	s0 =	simm.s32 @!p0 $0x0  }
0x12: {  	s1 =	sld [smem:$0x3F9D];
	s0 =	simm.s32 @p0 $0x1  }
0x13: {  	[smem:$0x3FB8] =	sst s0;
	s0 =	simm.s32 @!p1 $0x0  }
0x14: {  	s2 =	sld [smem:$0x3F9C];
	s0 =	simm.s32 @p1 $0x1  }
0x15: {  	[smem:$0x3FB9] =	sst s0;
	s0 =	simm.s32 @!p2 $0x0  }
0x16: {  	s3 =	sld [smem:$0x3FDB];
	s0 =	simm.s32 @p2 $0x1  }
0x17: {  	s4 =	simm.s32 $0x1BF5;
	[smem:$0x3FBB] =	sst s0  }
0x18: {  	s0 =	sld [smem:$0x3F9E];
	_ =	swait.ge [sflag:s4], $0x0  }
0x19: {  	s7 =	sld [smem:$0x3F9F]  }
0x1a: {  	s8 =	sadd.s32 $0xFFFFE003, lr  }
0x1b: {  	s9 =	sadd.s32 $0xFFFFFEF7, lr;
	s5 =	simm.s32 $0xFFFFFFFF;
	p2 =	slt.u32 s8, $0xFFFFF086  }
0x1c: {  	p1 =	slt.u32 s9, $0xF7A;
	s5 =	simm.s32 @!p2 $0x0  }
0x1d: {  	s5 =	simm.s32 @p1 $0x1;
	p0 =	seq.s32 s7, s2  }
0x1e: {  	s7 =	smul.u32 @!p0 $0xF7A, s2;
	p2 =	seq.s32 @!p0 s5, $0x0  }
0x1f: {  	s9 =	smul.u32 $0xF7A, s1;
	s8 =	simm.s32 @!p0 $0x1BF5;
	p2 =	por !p2, p0  }
0x20: {  	[sflag:s8] =	ssyncset.s32 @!p0 $0xFFFFF086;
	s6 =	sadd.s32 @!p0 s3, s7;
	s7 =	simm.s32 @!p0 $0x108  }
0x21: {  	s3 =	sadd.s32 s3, s9;
	s6 =	sadd.s32 @!p0 $0x88, s6;
	s7 =	simm.s32 @p2 $0x1082  }
0x22: {  	[simem:s7], [sflag:s8] =	dma.local @!p0 [hbm:s6], $0xF7A  }
0x23: {  	s9 =	sor.u32 $0xD0000000, s2;
	s6 =	simm.s32 $0x108;
	_ =	swait.ge @!p0 [sflag:s8], $0x0  }
0x24: {  	s3 =	sadd.s32 $0x88, s3;
	s6 =	simm.s32 @!p1 $0x1082;
	[sflag:s4] =	ssyncset.s32 $0xFFFFF086  }
0x25: {  	[simem:s6], [sflag:s4] =	dma.local [hbm:s3], $0xF7A  }
0x26: {  	[smem:$0x3F9F] =	sst s1;
	(tag) =	ssettag s2;
	_ =	strace s9  }
0x27: {  	s1 =	sld [smem:$0x3FAF]  }
0x28: {  	s2 =	sld [smem:$0x3FB0]  }
0x29: {  	s4 =	sld [smem:$0x3FB2]  }
0x2a: {  	p0 =	seq.s32 s5, $0x0;
	s5 =	sld [smem:$0x3FB3]  }
0x2b: {  	s6 =	sld [smem:$0x3FB4]  }
0x2c: {  	s7 =	sld [smem:$0x3FB5]  }
0x2d: {  	s3 =	simm.s32 $0x108;
	s8 =	sld [smem:$0x3FB6]  }
0x2e: {  	s3 =	simm.s32 @!p0 $0x1082;
	s9 =	sld [smem:$0x3FB7]  }
0x2f: {  	lr =	sadd.s32 s0, s3;
	s0 =	sld [smem:$0x3FAE]  }
0x30: {  	s3 =	sld [smem:$0x3FB1]  }
0x31: {  	[smem:$0x3FBA] =	sst s10  }
0x32: {  	s10 =	sld [smem:$0x3FB8];
	_ =	sdelay $0x3  }
0x33: {  	p0 =	seq.s32 s10, $0x1;
	s10 =	sld [smem:$0x3FBA];
	_ =	sdelay $0x3  }
0x34: {  	[smem:$0x3FBA] =	sst s10  }
0x35: {  	s10 =	sld [smem:$0x3FB9];
	_ =	sdelay $0x3  }
0x36: {  	p1 =	seq.s32 s10, $0x1;
	s10 =	sld [smem:$0x3FBA];
	_ =	sdelay $0x3  }
0x37: {  	[smem:$0x3FBA] =	sst s10  }
0x38: {  	s10 =	sld [smem:$0x3FBB]  }
0x39: {  	_ = 	snop;
	(pc) =	sbr.ind lr, $3  }
0x3a: {  	_ = 	snop  }
0x3b: {  	_ = 	snop  }
0x3c: {  	p2 =	seq.s32 s10, $0x1;
	s10 =	sld [smem:$0x3FBA]  }
0x3d: {  	_ =	shalt  }
0x3e: {  	_ =	shalt  }
0x3f: {  	_ =	shalt  }
0x40: {  	_ =	shalt  }
0x41: {  	_ =	shalt  }
0x42: {  	_ =	shalt  }
0x43: {  	_ =	shalt  }
0x44: {  	_ =	shalt  }
0x45: {  	_ =	shalt  }
0x46: {  	_ =	shalt  }
0x47: {  	_ =	shalt  }
0x48: {  	_ =	shalt  }
0x49: {  	_ =	shalt  }
0x4a: {  	_ =	shalt  }
0x4b: {  	_ =	shalt  }
0x4c: {  	_ =	shalt  }
0x4d: {  	_ =	shalt  }
0x4e: {  	_ =	shalt  }
0x4f: {  	_ =	shalt  }
0x50: {  	_ =	shalt  }
0x51: {  	_ =	shalt  }
0x52: {  	_ =	shalt  }
0x53: {  	_ =	shalt  }
0x54: {  	_ =	shalt  }
0x55: {  	_ =	shalt  }
0x56: {  	_ =	shalt  }
0x57: {  	_ =	shalt  }
0x58: {  	_ =	shalt  }
0x59: {  	_ =	shalt  }
0x5a: {  	_ =	shalt  }
0x5b: {  	_ =	shalt  }
0x5c: {  	_ =	shalt  }
0x5d: {  	_ =	shalt  }
0x5e: {  	_ =	shalt  }
0x5f: {  	_ =	shalt  }
0x60: {  	_ =	shalt  }
0x61: {  	_ =	shalt  }
0x62: {  	_ =	shalt  }
0x63: {  	_ =	shalt  }
0x64: {  	_ =	shalt  }
0x65: {  	_ =	shalt  }
0x66: {  	_ =	shalt  }
0x67: {  	_ =	shalt  }
0x68: {  	_ =	shalt  }
0x69: {  	_ =	shalt  }
0x6a: {  	_ =	shalt  }
0x6b: {  	_ =	shalt  }
0x6c: {  	_ =	shalt  }
0x6d: {  	_ =	shalt  }
0x6e: {  	_ =	shalt  }
0x6f: {  	_ =	shalt  }
0x70: {  	_ =	shalt  }
0x71: {  	_ =	shalt  }
0x72: {  	_ =	shalt  }
0x73: {  	_ =	shalt  }
0x74: {  	_ =	shalt  }
0x75: {  	_ =	shalt  }
0x76: {  	_ =	shalt  }
0x77: {  	_ =	shalt  }
0x78: {  	_ =	shalt  }
0x79: {  	_ =	shalt  }
0x7a: {  	_ =	shalt  }
0x7b: {  	_ =	shalt  }
0x7c: {  	_ =	shalt  }
0x7d: {  	_ =	shalt  }
0x7e: {  	_ =	shalt  }
0x7f: {  	_ =	shalt  }
0x80: {  	_ =	shalt  }
0x81: {  	_ =	shalt  }
0x82: {  	_ =	shalt  }
0x83: {  	_ =	shalt  }
0x84: {  	_ =	shalt  }
0x85: {  	_ =	shalt  }
0x86: {  	_ =	shalt  }
0x87: {  	_ =	shalt  }
.Lfunc_end0:
.L_simem_size_0:
called_computation_lowered:
.L_overlay_start_0:
0x88: {  	s2 =	sld [smem:$0x3FD9]  }
0x89: {  	s3 =	sld [smem:$0x3FFE];
	_ =	sdelay $0x1  }
0x8a: {  	s1 =	srdreg.scid  }
0x8b: {  	s0 =	sand.u32 $0x1, s1  }
0x8c: {  	s15 =	sshll.u32 s0, $0xA;
	s2 =	sadd.s32 s3, s2  }
0x8d: {  	s2 =	sadd.s32 s2, s15  }
0x8e: {  	[smem:$0x3FC6] =	sst s2  }
0x8f: {  	_ = 	snop  }
0x90: {  	s2 =	sld [smem:$0x3FD0];
	_ =	sdelay $0x1  }
0x91: {  	s16 =	sld [smem:$0x3FC9]  }
0x92: {  	s5 =	simm.s32 $0xA;
	s6 =	simm.s32 $0x10;
	s4 =	sld [smem:$0x3FC8]  }
0x93: {  	[smem:s6], [sflag:s5] =	dma.local [hbm:s2], $0x1  }
0x94: {  	_ =	swait.eq [sflag:s5], $0x1  }
0x95: {  	[sflag:s5] =	ssyncset.done $0x0  }
0x96: {  	[sflag:s5] =	ssyncadd.s32 $0xFFFFFFFF  }
0x97: {  	s17 =	sld [smem:$0x10];
	(tm) =	ssettm $0x1  }
0x98: {  	s18 =	sld [smem:$0x3FFB];
	_ =	sdelay $0x3  }
0x99: {  	_ =	strace s18  }
0x9a: {  	s5 =	sld [smem:$0x3FFC];
	_ =	sdelay $0x3  }
0x9b: {  	_ =	strace s5  }
0x9c: {  	s5 =	sld [smem:$0x3FFD];
	_ =	sdelay $0x3  }
0x9d: {  	_ =	strace s5  }
0x9e: {  	_ =	strace $0x8FFFFFFF  }
0x9f: {  	s19 =	sld [smem:$0x3FDB];
	_ =	sdelay $0x1  }
0xa0: {  	s20 =	simm.s32 $_scs_section_size  }
0xa1: {  	s7 =	simm.s32 $_size__tile_overlayer_lowered;
	s8 =	simm.s32 $_tile_overlayer_lowered  }
0xa2: {  	s23 =	simm.s32 $0x1BFF;
	s22 =	sshll.u32 s8, $0x1;
	s5 =	sadd.s32 s20, s19  }
0xa3: {  	s9 =	simm.s32 $0x0;
	s21 =	sshll.u32 s7, $0x1;
	s7 =	sadd.s32 s22, s5  }
0xa4: {  	[timem:s9], [sflag:s23] =	dma.local [hbm:s7], s21  }
0xa5: {  	_ =	swait.ge [sflag:s23], s21  }
0xa6: {  	s6 =	ssub.s32 $0x0, s21;
	[sflag:s23] =	ssyncset.done $0x0  }
0xa7: {  	[sflag:s23] =	ssyncadd.s32 s6;
	_ =	sdelay $0x1  }
0xa8: {  	s24 =	simm.s32 $0x1B8B  }
0xa9: {  	_ =	swait.ge [sflag:s24], $0x1  }
0xaa: {  	[sflag:s24] =	ssyncset.done $0x0  }
0xab: {  	s25 =	simm.s32 $0x1B8E;
	[sflag:s24] =	ssyncadd.s32 $0xFFFFFFFF  }
0xac: {  	s26 =	simm.s32 $execute0_lowered;
	[smem:$0x3FD2] =	sst s25  }
0xad: {  	s6 =	sshll.u32 s26, $0x1;
	_ =	strace $0x80000046;
	[dreg:$0x1] =	wrdreg $0xFFFFFFFF  }
0xae: {  	s28 =	simm.s32 $_size_execute0_lowered;
	s5 =	sadd.s32 s5, s6;
	[dreg:$0x0] =	wrdreg $0x0  }
0xaf: {  	s6 =	sshll.u32 s28, $0x1;
	[dreg:$0x2] =	wrdreg s5  }
0xb0: {  	[dreg:$0x3] =	wrdreg s6  }
0xb1: {  	[dreg:$0x4] =	wrdreg $0xC0  }
0xb2: {  	_ =	task [dreg:s9], $0x5FFFF  }
0xb3: {  	[dreg:$0x1] =	wrdreg $0xFFFFFFFF  }
0xb4: {  	[dreg:$0x0] =	wrdreg $0x60  }
0xb5: {  	[dreg:$0x2] =	wrdreg s16  }
0xb6: {  	[dreg:$0x3] =	wrdreg s4  }
0xb7: {  	[dreg:$0x4] =	wrdreg s17  }
0xb8: {  	[dreg:$0x5] =	wrdreg $0x9  }
0xb9: {  	_ =	task.clear_ibuf [dreg:s9], $0x6FFFF;
	_ =	strace $0x90000046  }
0xba: {  	s29 =	simm.s32 $0x9;
	_ =	strace $0x80000048  }
0xbb: {  	_ =	swait.ge [sflag:s29], $0x1  }
0xbc: {  	[sflag:s29] =	ssyncadd.s32 $0xFFFFFFFF  }
0xbd: {  	_ =	strace $0x90000048  }
0xbe: {  	_ =	sfence  }
0xbf: {  	s30 =	sld [smem:$0x0];
	_ =	sdelay $0x2  }
0xc0: {  	s31 =	sshll.u32 s1, $0xD;
	s1 =	sshrl.u32 s1, $0x2  }
0xc1: {  	s3 =	sand.u32 $0x4000, s31;
	s1 =	sadd.s32 s1, s30  }
0xc2: {  	s0 =	sor.u32 s3, s0;
	s1 =	sshll.u32 s1, $0x11  }
0xc3: {  	s0 =	sor.u32 s1, s0  }
0xc4: {  	s0 =	sadd.s32 $0x8F2B, s0  }
0xc5: {  	[sflag:s0] =	ssyncadd.remote.s32 $0x1  }
0xc6: {  	_ =	sfence.sel $0xFFFF  }
0xc7: {  	[dreg:$0x0] =	wrdreg $0xFFFFFFFF;
	(pc) =	sbr.abs _section_cstart, $3  }
0xc8: {  	[dreg:$0x1] =	wrdreg $0xFFFFFFFF  }
0xc9: {  	_ =	task.clear_ibuf [dreg:s9], $0x2FFFF;
	_ =	strace $0x9FFFFFFF  }
0xca: {  	(tm) =	ssettm $0x7FFFFFFF  }
0xcb: {  	_ =	shalt  }
tec
execute0_lowered:
.L_overlay_start_1:
0x0: {  	(tag) =	ssettag $0x1  }
0x1: {  	s1 =	rddreg [dreg:$0x0]  }
0x2: {  	s2 =	rddreg [dreg:$0x1]  }
0x3: {  	s5 =	rddreg [dreg:$0x2]  }
0x4: {  	s0 =	rddreg [dreg:$0x3];
	s6 =	srdreg.scid;
	s4 =	simm.s32 $0x0  }
0x5: {  	s3 =	stileid.u32;
	s10 =	simm.s32 $0x0;
	s6 =	sand.u32 $0x1, s6  }
.Ltmp0:
0x6: {  	[smem:$0x7FF] =	sst s4;
	s8 =	sshll.u32 s3, $0x1;
	(pc) =	sbr.rel .LBB2_1-.Ltmp0, $4  }
0x7: {  	v4 =	vlaneseq.u32;
	s7 =	ssub.s32 $0x2, s6;
	_ =	strace $0x80000047;
	s6 =	sor.u32 s6, s8  }
0x8: {  	v0 =	vand.u32 $0x7, v4;
	v1 =	vor.u32 $0x8, v4;
	s9 =	sshrl.u32 s7, $0x1;
	s8 =	sshll.u32 s6, $0x4;
	s6 =	sshll.u32 s6, $0x5  }
0x9: {  	s7 =	ssub.s32 s7, s9;
	v0 =	vor.u32 s8, v0;
	v1 =	vor.u32 s8, v1;
	s5 =	sadd.s32 s5, s6;
	s8 =	simm.s32 $0x2000  }
0xa: {  	v2 =	vimm.s32 $0x0;
	v3 =	vimm.f32 $0.0e+00;
	v4 =	vmul.u32 $0x40, v4;
	s9 =	simm.s32 $0x6080;
	s6 =	smax.u32 s7, $0x1;
	s7 =	simm.s32 $0x3  }
.LBB2_8:
0xb: {  	[sflag:s16] =	ssyncadd.s32 @!p0 $0xFFFFE000;
	s11 =	simm.s32 @!p2 $0x40  }
0xc: {  	[tilespmem:s18], [sflag:$0x2] =	stream.indirect.gather @!p2 [hbm4b:s2+s11], $0x80, s17, s11, $0xb8;
	[tilespmem:$0xA180] =	vst v63  }
.LBB2_9:
0xd: {  	s10 =	sadd.s32 $0x1, s10  }
0xe: {  	p0 =	sne.s32 s10, s6  }
.Ltmp1:
0xf: {  	_ = 	snop;
	(pc) =	sbr.rel @!p0 .LBB2_10-.Ltmp1, $4  }
0x10: {  	[hbm4b:s5+s4] =	stream.linear.scatter [tilespmem:s9], [sflag:$0x3], $0x100, $0x38;
	[tilespmem:$0xA180] =	vst v63  }
0x11: {  	_ =	swait.ge [sflag:s7], $0x100  }
0x12: {  	[sflag:s7] =	ssyncset.done $0x0  }
0x13: {  	[sflag:s7] =	ssyncadd.s32 $0xFFFFFF00  }
.LBB2_1:
0x14: {  	[tilespmem:s4], [sflag:$0x3] =	stream.linear.gather [hbm4b:s1+s4], $0x2000, $0x38;
	[tilespmem:$0xA180] =	vst v63  }
0x15: {  	_ =	swait.ge [sflag:s7], $0x2000  }
0x16: {  	[sflag:s7] =	ssyncset.done $0x0  }
0x17: {  	s11 =	simm.s32 $0x40;
	s12 =	simm.s32 $0x0;
	[sflag:s7] =	ssyncadd.s32 $0xFFFFE000  }
.LBB2_2:
0x18: {  	p0 =	sne.s32 s11, $0x100C0;
	[tilespmem:s12+$0x2000] =	vst v2;
	s12 =	smov.u32 s11;
	s11 =	sadd.s32 $0x40, s11  }
.Ltmp2:
0x19: {  	(pc) =	sbr.rel @p0 .LBB2_2-.Ltmp2, $2  }
0x1a: {  	_ =	sdelay $0x2  }
0x1b: {  	s12 =	sshra.s32 s12, $0x2  }
0x1c: {  	[tilespmem:s12+$0x2000] =	vst v2  }
0x1d: {  	[tilespmem:$0x6080] =	vst v3  }
0x1e: {  	[tilespmem:$0x6090] =	vst v3  }
0x1f: {  	[tilespmem:$0x60A0] =	vst v3  }
0x20: {  	[tilespmem:$0x60B0] =	vst v3  }
0x21: {  	[tilespmem:$0x60C0] =	vst v3  }
0x22: {  	[tilespmem:$0x60D0] =	vst v3  }
0x23: {  	[tilespmem:$0x60E0] =	vst v3  }
0x24: {  	[tilespmem:$0x60F0] =	vst v3  }
0x25: {  	[tilespmem:$0x6100] =	vst v3  }
0x26: {  	[tilespmem:$0x6110] =	vst v3  }
0x27: {  	[tilespmem:$0x6120] =	vst v3  }
0x28: {  	[tilespmem:$0x6130] =	vst v3  }
0x29: {  	[tilespmem:$0x6140] =	vst v3  }
0x2a: {  	[tilespmem:$0x6150] =	vst v3  }
0x2b: {  	[tilespmem:$0x6160] =	vst v3  }
0x2c: {  	s11 =	simm.s32 $0x0;
	[tilespmem:$0x6170] =	vst v3  }
0x2d: {  	v5 =	vld [tilespmem:s11+$0x0];
	_ =	sdelay $0x4  }
0x2e: {  	vm0 =	vgt.f32 v5, $5.000000000e-01  }
0x2f: {  	v5 =	vsel vm0, $0x1, v2  }
0x30: {  	(xrf0) =	vadd.scan.msk.s32 $0xffff, v5;
	_ =	sdelay $0x4  }
0x31: {  	v5 =	vsel vm0, $0xFFFFFFFF, v2  }
0x32: {  	v5 =	vadd.s32 s11, v5;
	v6, _, _ =	vpop (xrf0)  }
0x33: {  	v5 =	vadd.s32 v6, v5;
	(v2sf) =	vpush v6, $0xF  }
0x34: {  	v7 =	vmov s11;
	v5 =	vshll.u32 v5, $0x1  }
0x35: {  	v7 =	vshll.u32 v7, $0x6;
	v8 =	vor.u32 $0x1, v5  }
0x36: {  	v7 =	vor.u32 v4, v7  }
0x37: {  	v7 =	vand.u32 $0x7FE00, v7  }
0x38: {  	v9 =	vor.u32 v7, v0  }
0x39: {  	[tilespmem:v5+s8+$0x0] =	vst.idx.msk vm0, v9;
	v5 =	vor.u32 v1, v7  }
0x3a: {  	s12 =	simm.s32 $0x10;
	[tilespmem:v8+s8+$0x0] =	vst.idx.msk vm0, v5  }
0x3b: {  	s13 =	simm.s32 $0x20;
	s14 =	simm.s32 $0x10;
	v5 =	vld [tilespmem:s12+$0x0]  }
.LBB2_4:
0x3c: {  	p0 =	sne.s32 s13, $0x1FF0;
	_ =	sdelay $0x3  }
0x3d: {  	vm0 =	vgt.f32 v5, $5.000000000e-01  }
0x3e: {  	v5 =	vsel vm0, $0xFFFFFFFF, v2;
	v6 =	vsel vm0, $0x1, v2  }
0x3f: {  	(xrf0) =	vadd.scan.msk.s32 $0xffff, v6;
	s15 =	spop (v2sf)  }
0x40: {  	s11 =	sadd.s32 s11, s15  }
0x41: {  	v5 =	vadd.s32 s11, v5;
	_ =	sdelay $0x3  }
0x42: {  	v6, _, _ =	vpop (xrf0)  }
0x43: {  	v5 =	vadd.s32 v6, v5;
	(v2sf) =	vpush v6, $0xF  }
0x44: {  	v6 =	vmov s12;
	s12 =	smov.u32 s13;
	v5 =	vshll.u32 v5, $0x1  }
0x45: {  	v6 =	vshll.u32 v6, $0x6;
	v7 =	vor.u32 $0x1, v5  }
0x46: {  	v6 =	vor.u32 v4, v6  }
.Ltmp3:
0x47: {  	v6 =	vand.u32 $0x7FE00, v6;
	(pc) =	sbr.rel @p0 .LBB2_4-.Ltmp3, $4  }
0x48: {  	v8 =	vor.u32 v6, v0  }
0x49: {  	[tilespmem:v5+s8+$0x0] =	vst.idx.msk vm0, v8;
	v5 =	vor.u32 v1, v6  }
0x4a: {  	s14 =	sadd.s32 $0x10, s14;
	[tilespmem:v7+s8+$0x0] =	vst.idx.msk vm0, v5  }
0x4b: {  	s13 =	sadd.s32 $0x10, s13;
	v5 =	vld [tilespmem:s14+$0x0]  }
0x4c: {  	_ =	sdelay $0x3  }
0x4d: {  	vm0 =	vgt.f32 v5, $5.000000000e-01  }
0x4e: {  	v5 =	vsel vm0, $0x1, v2  }
0x4f: {  	(xrf0) =	vadd.scan.msk.s32 $0xffff, v5;
	_ =	sdelay $0x5  }
0x50: {  	v5, _, _ =	vpop (xrf0)  }
0x51: {  	(v2sf) =	vpush v5, $0xF;
	_ =	sdelay $0xd  }
0x52: {  	s13 =	spop (v2sf)  }
0x53: {  	s11 =	sadd.s32 s11, s13;
	s24 =	spop (v2sf)  }
0x54: {  	s13 =	sadd.s32 s11, s24  }
0x55: {  	v6 =	vsel vm0, $0xFFFFFFFF, v2;
	s25 =	sshll.u32 s13, $0x1  }
0x56: {  	v6 =	vadd.s32 s11, v6;
	s11 =	sadd.s32 $0x3F, s25  }
0x57: {  	v5 =	vadd.s32 v5, v6;
	s26 =	sshra.s32 s11, $0x1F  }
0x58: {  	v6 =	vmov s12;
	v5 =	vshll.u32 v5, $0x1;
	s28 =	sshrl.u32 s26, $0x1A  }
0x59: {  	v6 =	vshll.u32 v6, $0x6;
	v7 =	vor.u32 $0x1, v5;
	s11 =	sadd.s32 s28, s11  }
0x5a: {  	v6 =	vor.u32 v4, v6;
	s11 =	sshra.s32 s11, $0x6  }
0x5b: {  	v6 =	vand.u32 $0x7FE00, v6;
	s11 =	sadd.s32 s26, s11  }
0x5c: {  	v8 =	vor.u32 v6, v0;
	p0 =	slt.s32 s11, $0x1  }
0x5d: {  	[tilespmem:v5+s8+$0x0] =	vst.idx.msk vm0, v8;
	v5 =	vor.u32 v1, v6;
	s29 =	sadd.s32 $0x1, s11;
	s12 =	simm.s32 @!p0 $0x40;
	s13 =	simm.s32 @!p0 $0x2000  }
0x5e: {  	[tilespmem:v7+s8+$0x0] =	vst.idx.msk vm0, v5;
	s14 =	simm.s32 @!p0 $0x6180;
	p1 =	seq.s32 @!p0 s11, $0x1;
	s30 =	sand.u32 $0x1, s29  }
0x5f: {  	[tilespmem:s14], [sflag:$0x1] =	stream.indirect.gather @!p0 [hbm4b:s2+s12], $0x80, s13, s12, $0xb8;
	[tilespmem:$0xA180] =	vst v63  }
0x60: {  	p5 =	slt.s32 s11, $0x0;
	p0 =	por p1, p0;
	p6 =	seq.s32 s30, $0x1  }
0x61: {  	s12 =	simm.s32 @!p0 $0x40;
	s13 =	simm.s32 @!p0 $0x2040;
	s14 =	simm.s32 @!p0 $0x8180  }
0x62: {  	[tilespmem:s14], [sflag:$0x2] =	stream.indirect.gather @!p0 [hbm4b:s2+s12], $0x80, s13, s12, $0xb8;
	[tilespmem:$0xA180] =	vst v63  }
0x63: {  	s31 =	sshrl.u32 s29, $0x1F;
	p0 =	por !p5, !p6  }
0x64: {  	s12 =	sadd.s32 s31, s29;
	s13 =	simm.s32 $0x1;
	p0 =	por !p0, !p0  }
0x65: {  	s12 =	sshra.s32 s12, $0x1;
	s13 =	simm.s32 @!p0 $0x0  }
0x66: {  	s13 =	ssub.s32 s12, s13  }
0x67: {  	p0 =	slt.s32 s13, $0x1  }
.Ltmp4:
0x68: {  	_ = 	snop;
	(pc) =	sbr.rel @p0 .LBB2_9-.Ltmp4, $1  }
0x69: {  	_ =	sdelay $0x3  }
0x6a: {  	p1 =	sle.s32 s11, $0x0  }
0x6b: {  	s14 =	simm.s32 @!p1 $0x1  }
0x6c: {  	s12 =	sadd.s32 $0xFFFFFFFF, s11;
	s15 =	simm.s32 $0x2080;
	_ =	swait.ge @!p1 [sflag:s14], $0x2000  }
0x6d: {  	s13 =	sadd.s32 $0xFFFFFFFF, s13;
	p2 =	sle.s32 s11, $0x2;
	[sflag:s14] =	ssyncset.done @!p1 $0x0  }
0x6e: {  	p0 =	sle.s32 s12, $0x0;
	[sflag:s14] =	ssyncadd.s32 @!p1 $0xFFFFE000;
	p1 =	sne.s32 s13, $0x0  }
.Ltmp5:
0x6f: {  	s16 =	simm.s32 @!p2 $0x6180;
	s14 =	simm.s32 @!p2 $0x40;
	(pc) =	sbr.rel @!p1 .LBB2_8-.Ltmp5, $4  }
0x70: {  	[tilespmem:s16], [sflag:$0x1] =	stream.indirect.gather @!p2 [hbm4b:s2+s14], $0x80, s15, s14, $0xb8;
	[tilespmem:$0xA180] =	vst v63  }
0x71: {  	s14 =	simm.s32 $0x2;
	s16 =	simm.s32 @!p0 $0x2  }
0x72: {  	p2 =	sle.s32 s11, $0x3;
	s15 =	simm.s32 $0x2100;
	_ =	swait.ge @!p0 [sflag:s16], $0x2000  }
0x73: {  	s17 =	simm.s32 @!p2 $0x20C0;
	s18 =	simm.s32 @!p2 $0x8180;
	[sflag:s16] =	ssyncset.done @!p0 $0x0  }
.LBB2_7:
0x74: {  	s13 =	sadd.s32 $0xFFFFFFFF, s13;
	[sflag:s16] =	ssyncadd.s32 @!p0 $0xFFFFE000;
	s16 =	simm.s32 @!p2 $0x40  }
0x75: {  	[tilespmem:s18], [sflag:$0x2] =	stream.indirect.gather @!p2 [hbm4b:s2+s16], $0x80, s17, s16, $0xb8;
	[tilespmem:$0xA180] =	vst v63  }
0x76: {  	p2 =	sge.s32 s14, s11;
	p1 =	sne.s32 s13, $0x0;
	s17 =	smov.u32 s14  }
0x77: {  	s18 =	smov.u32 s15;
	s14 =	sadd.s32 $0x2, s14;
	s16 =	simm.s32 @!p2 $0x1  }
0x78: {  	p3 =	sge.s32 s14, s11;
	_ =	swait.ge @!p2 [sflag:s16], $0x2000  }
0x79: {  	p0 =	sge.s32 s17, s12;
	s19 =	simm.s32 @!p3 $0x6180;
	[sflag:s16] =	ssyncset.done @!p2 $0x0  }
.Ltmp6:
0x7a: {  	[sflag:s16] =	ssyncadd.s32 @!p2 $0xFFFFE000;
	s16 =	simm.s32 @!p3 $0x40;
	(pc) =	sbr.rel @p1 .LBB2_7-.Ltmp6, $4  }
0x7b: {  	[tilespmem:s19], [sflag:$0x1] =	stream.indirect.gather @!p3 [hbm4b:s2+s16], $0x80, s15, s16, $0xb8;
	[tilespmem:$0xA180] =	vst v63  }
0x7c: {  	s17 =	sadd.s32 $0x3, s17;
	s16 =	simm.s32 @!p0 $0x2  }
0x7d: {  	p2 =	sge.s32 s17, s11;
	s15 =	sadd.s32 $0x80, s15;
	_ =	swait.ge @!p0 [sflag:s16], $0x2000  }
0x7e: {  	s17 =	sadd.s32 @!p2 $0x40, s18;
	s18 =	simm.s32 @!p2 $0x8180;
	[sflag:s16] =	ssyncset.done @!p0 $0x0  }
.Ltmp7:
0x7f: {  	_ = 	snop;
	(pc) =	sbr.rel .LBB2_8-.Ltmp7, $1  }
0x80: {  	_ =	sdelay $0x3  }
.LBB2_10:
0x81: {  	_ =	sfence.sel $0x180000  }
0x82: {  	[bflag:$0x0] =	sbarrier.arrive $0xFFFF  }
0x83: {  	p0 =	sne.s32 s3, $0x0;
	_ =	strace $0x90000047  }
0x84: {  	s0 =	sadd.s32 @!p0 $0x100000, s0;
	[bflag:$0x2] =	sbarrier.arrive $0xFFFF  }
0x85: {  	[sflag:s0] =	ssyncadd.tile.s32 @!p0 $0x1;
	_ =	shalt  }
.Lfunc_end2:
_tile_overlayer_lowered:
.L_overlay_start_2:
0x86: {  	(tag) =	ssettag $0x2  }
0x87: {  	s0 =	rddreg [dreg:$0x0];
	s2 =	stileid.u32  }
0x88: {  	s1 =	rddreg [dreg:$0x1];
	p0 =	sne.s32 s2, $0x0  }
0x89: {  	s3 =	rddreg [dreg:$0x2];
	[bflag:$0x3] =	sbarrier.arrive $0xFFFF;
	s2 =	simm.s32 @!p0 $0x1C03  }
0x8a: {  	[timem:s3], [sflag:s2] =	dma.local @!p0 [hbm:s0], s1  }
0x8b: {  	s0 =	simm.s32 @!p0 $0x3  }
0x8c: {  	_ =	swait.ge @!p0 [sflag:s0], s1  }
0x8d: {  	s1 =	ssub.s32 @!p0 $0x0, s1;
	[sflag:s0] =	ssyncset.done @!p0 $0x0  }
0x8e: {  	[sflag:s0] =	ssyncadd.s32 @!p0 s1  }
0x8f: {  	[bflag:$0x3] =	sbarrier.arrive $0xFFFF  }
0x90: {  	_ =	shalt  }

</sc_bundles>
